<compile_context>
chip_gen: v7x
topology: tpu7x:2x2x1
jax: 0.10.2.dev20260603
libtpu: 0.0.44.dev20260713+nightly
codegen_flags: <defaults>
</compile_context>

<pallas_src>
import jax
import jax.numpy as jnp
from jax import lax
from jax.experimental import pallas as pl
from jax.experimental.pallas import tpu as pltpu
from jax.experimental.pallas import tpu_sc as plsc

NC = 2
NS = 16
NW = NC * NS
B = 16384
D = 64
BPW = B // NW
CHUNK = 128
NCHUNK = BPW // CHUNK


def _sc_body(xu_hbm, xm_hbm, iu_hbm, im_hbm, out_hbm,
             iu_v, im_v, ur_v, mr_v, o_v, sem_u, sem_m):
    wid = lax.axis_index("s") * NC + lax.axis_index("c")
    base = wid * BPW

    pltpu.sync_copy(iu_hbm.at[wid], iu_v)
    pltpu.sync_copy(im_hbm.at[wid], im_v)

    copies = []
    for j in range(NCHUNK):
        copies.append(pltpu.async_copy(
            xu_hbm.at[iu_v.at[j]], ur_v.at[pl.ds(j * CHUNK, CHUNK)], sem_u))
        copies.append(pltpu.async_copy(
            xm_hbm.at[im_v.at[j]], mr_v.at[pl.ds(j * CHUNK, CHUNK)], sem_m))
    for cp in copies:
        cp.wait()

    def group_step(g, carry):
        e_ids = g * 16 + lax.iota(jnp.int32, 16)

        def dim_step(d, acc):
            d_ids = jnp.full((16,), d, jnp.int32)
            pu = plsc.load_gather(ur_v, [e_ids, d_ids])
            pm = plsc.load_gather(mr_v, [e_ids, d_ids])
            return acc + pu * pm

        acc = lax.fori_loop(0, D, dim_step, jnp.zeros((16,), jnp.float32))
        o_v[pl.ds(g * 16, 16)] = acc
        return carry

    lax.fori_loop(0, BPW // 16, group_step, 0)

    pltpu.sync_copy(o_v, out_hbm.at[pl.ds(base, BPW)])


@jax.jit
def _run(x_user, x_movie, iu, im):
    mesh = plsc.VectorSubcoreMesh(
        core_axis_name="c", subcore_axis_name="s",
        num_cores=NC, num_subcores=NS)
    f = pl.kernel(
        _sc_body,
        out_type=jax.ShapeDtypeStruct((B,), jnp.float32),
        mesh=mesh,
        scratch_types=[
            pltpu.VMEM((NCHUNK, CHUNK), jnp.int32),
            pltpu.VMEM((NCHUNK, CHUNK), jnp.int32),
            pltpu.VMEM((BPW, D), jnp.float32),
            pltpu.VMEM((BPW, D), jnp.float32),
            pltpu.VMEM((BPW,), jnp.float32),
            pltpu.SemaphoreType.DMA,
            pltpu.SemaphoreType.DMA,
        ],
        compiler_params=pltpu.CompilerParams(
            needs_layout_passes=False, use_tc_tiling_on_sc=False),
    )
    return f(x_user, x_movie, iu, im)


def kernel(x_user, x_movie, edge_label_index):
    idx = edge_label_index.astype(jnp.int32)
    iu = idx[0].reshape(NW, NCHUNK, CHUNK)
    im = idx[1].reshape(NW, NCHUNK, CHUNK)
    return _run(x_user, x_movie, iu, im)

# --- scband reference (transcript-rebuilt; emitter-appended) ---
"""Pipeline reference for scband-classifier-36627481100877 (READ-ONLY COPY).

The authoritative reference and input builder live on the scoring server;
editing this copy changes nothing except your own understanding.
"""

import jax, jax.numpy as jnp
import numpy as np


def setup_inputs(seed: int = 0) -> dict:
    key = jax.random.key(seed)
    k1, k2, k3 = jax.random.split(key, 3)
    x_user = jax.random.normal(k1, (1000000, 64), dtype=jnp.float32)
    x_movie = jax.random.normal(k2, (1000000, 64), dtype=jnp.float32)
    edge_label_index = jax.random.randint(k3, (2, 16384), 0, 1000000, dtype=jnp.int64)
    return {"x_user": x_user, "x_movie": x_movie, "edge_label_index": edge_label_index}


def reference(x_user, x_movie, edge_label_index):
    # gather user embeddings for edge sources
    edge_feat_user = jnp.take(x_user, edge_label_index[0], axis=0)
    # gather movie embeddings for edge destinations
    edge_feat_movie = jnp.take(x_movie, edge_label_index[1], axis=0)
    # elementwise dot product per edge
    return (edge_feat_user * edge_feat_movie).sum(axis=-1)

if __name__ == "__main__":
    import jax
    _d = setup_inputs()
    print(jax.jit(kernel)(*tuple(_d.values())))

</pallas_src>

<mosaic_0001>
#map = affine_map<(d0, d1) -> (0, 0)>
#map1 = affine_map<(d0, d1) -> (0, 0, 0)>
#map2 = affine_map<(d0, d1) -> (0)>
module attributes {stable_mosaic.version = 14 : i64} {
  func.func @_sc_body(%arg0: i32, %arg1: i32, %arg2: memref<1000000x64xf32, #tpu.memory_space<hbm>>, %arg3: memref<1000000x64xf32, #tpu.memory_space<hbm>>, %arg4: memref<32x4x128xi32, #tpu.memory_space<hbm>>, %arg5: memref<32x4x128xi32, #tpu.memory_space<hbm>>, %arg6: memref<16384xf32, #tpu.memory_space<hbm>>, %arg7: memref<4x128xi32, #tpu.memory_space<vmem>>, %arg8: memref<4x128xi32, #tpu.memory_space<vmem>>, %arg9: memref<512x64xf32, #tpu.memory_space<vmem>>, %arg10: memref<512x64xf32, #tpu.memory_space<vmem>>, %arg11: memref<512xf32, #tpu.memory_space<vmem>>, %arg12: memref<!tpu.dma_semaphore, #tpu.memory_space<semaphore_mem>>, %arg13: memref<!tpu.dma_semaphore, #tpu.memory_space<semaphore_mem>>) attributes {dimension_semantics = [#tpu.dimension_semantics<core_parallel>, #tpu.dimension_semantics<subcore_parallel>], iteration_bounds = array<i64: 2, 16>, scalar_prefetch = 0 : i64, scratch_operands = 7 : i64, tpu.core_type = #tpu.core_type<sc_vector_subcore>, window_params = [{transform_indices = #map}, {transform_indices = #map}, {transform_indices = #map1}, {transform_indices = #map1}, {transform_indices = #map2}]} {
    %mul3A = arith.constant 2 : i32
    %mul3A_0 = arith.muli %arg1, %mul3A : i32
    %add3A = arith.addi %mul3A_0, %arg0 : i32
    %mul3A_1 = arith.constant 512 : i32
    %mul3A_2 = arith.muli %add3A, %mul3A_1 : i32
    "tpu.region"() ({
      %run_scoped3A = tpu.sem_alloc : memref<!tpu.dma_semaphore, #tpu.memory_space<semaphore_mem>>
      %dma_start3A_166 = arith.constant 0 : i32
      %dma_start3A_167 = arith.constant 0 : i32
      %dma_start3A_168 = tpu.memref_slice %arg4[%add3A, %dma_start3A_166, %dma_start3A_167] : memref<32x4x128xi32, #tpu.memory_space<hbm>> -> memref<1x4x128xi32, #tpu.memory_space<hbm>>
      %dma_start3A_169 = tpu.memref_squeeze %dma_start3A_168 : memref<1x4x128xi32, #tpu.memory_space<hbm>> -> memref<4x128xi32, #tpu.memory_space<hbm>>
      %dma_start3A_170 = arith.constant 0 : i32
      %dma_start3A_171 = arith.constant 0 : i32
      %dma_start3A_172 = tpu.memref_slice %arg4[%add3A, %dma_start3A_170, %dma_start3A_171] : memref<32x4x128xi32, #tpu.memory_space<hbm>> -> memref<1x4x128xi32, #tpu.memory_space<hbm>>
      %dma_start3A_173 = tpu.memref_squeeze %dma_start3A_172 : memref<1x4x128xi32, #tpu.memory_space<hbm>> -> memref<4x128xi32, #tpu.memory_space<hbm>>
      tpu.enqueue_dma source(%dma_start3A_173 : memref<4x128xi32, #tpu.memory_space<hbm>>) target(%arg7 : memref<4x128xi32, #tpu.memory_space<vmem>>) target_semaphore(%run_scoped3A : memref<!tpu.dma_semaphore, #tpu.memory_space<semaphore_mem>>)
      %dma_wait3A_174 = arith.constant 0 : i32
      %dma_wait3A_175 = arith.constant 0 : i32
      %dma_wait3A_176 = tpu.memref_slice %arg4[%add3A, %dma_wait3A_174, %dma_wait3A_175] : memref<32x4x128xi32, #tpu.memory_space<hbm>> -> memref<1x4x128xi32, #tpu.memory_space<hbm>>
      %dma_wait3A_177 = tpu.memref_squeeze %dma_wait3A_176 : memref<1x4x128xi32, #tpu.memory_space<hbm>> -> memref<4x128xi32, #tpu.memory_space<hbm>>
      %dma_wait3A_178 = arith.constant 0 : i32
      %dma_wait3A_179 = arith.constant 0 : i32
      %dma_wait3A_180 = tpu.memref_slice %arg4[%add3A, %dma_wait3A_178, %dma_wait3A_179] : memref<32x4x128xi32, #tpu.memory_space<hbm>> -> memref<1x4x128xi32, #tpu.memory_space<hbm>>
      %dma_wait3A_181 = tpu.memref_squeeze %dma_wait3A_180 : memref<1x4x128xi32, #tpu.memory_space<hbm>> -> memref<4x128xi32, #tpu.memory_space<hbm>>
      tpu.wait_dma2 semaphore(%run_scoped3A : memref<!tpu.dma_semaphore, #tpu.memory_space<semaphore_mem>>) src(%dma_wait3A_181 : memref<4x128xi32, #tpu.memory_space<hbm>>) dst(%arg7 : memref<4x128xi32, #tpu.memory_space<vmem>>)
      tpu.yield
    }) : () -> ()
    "tpu.region"() ({
      %run_scoped3A = tpu.sem_alloc : memref<!tpu.dma_semaphore, #tpu.memory_space<semaphore_mem>>
      %dma_start3A_166 = arith.constant 0 : i32
      %dma_start3A_167 = arith.constant 0 : i32
      %dma_start3A_168 = tpu.memref_slice %arg5[%add3A, %dma_start3A_166, %dma_start3A_167] : memref<32x4x128xi32, #tpu.memory_space<hbm>> -> memref<1x4x128xi32, #tpu.memory_space<hbm>>
      %dma_start3A_169 = tpu.memref_squeeze %dma_start3A_168 : memref<1x4x128xi32, #tpu.memory_space<hbm>> -> memref<4x128xi32, #tpu.memory_space<hbm>>
      %dma_start3A_170 = arith.constant 0 : i32
      %dma_start3A_171 = arith.constant 0 : i32
      %dma_start3A_172 = tpu.memref_slice %arg5[%add3A, %dma_start3A_170, %dma_start3A_171] : memref<32x4x128xi32, #tpu.memory_space<hbm>> -> memref<1x4x128xi32, #tpu.memory_space<hbm>>
      %dma_start3A_173 = tpu.memref_squeeze %dma_start3A_172 : memref<1x4x128xi32, #tpu.memory_space<hbm>> -> memref<4x128xi32, #tpu.memory_space<hbm>>
      tpu.enqueue_dma source(%dma_start3A_173 : memref<4x128xi32, #tpu.memory_space<hbm>>) target(%arg8 : memref<4x128xi32, #tpu.memory_space<vmem>>) target_semaphore(%run_scoped3A : memref<!tpu.dma_semaphore, #tpu.memory_space<semaphore_mem>>)
      %dma_wait3A_174 = arith.constant 0 : i32
      %dma_wait3A_175 = arith.constant 0 : i32
      %dma_wait3A_176 = tpu.memref_slice %arg5[%add3A, %dma_wait3A_174, %dma_wait3A_175] : memref<32x4x128xi32, #tpu.memory_space<hbm>> -> memref<1x4x128xi32, #tpu.memory_space<hbm>>
      %dma_wait3A_177 = tpu.memref_squeeze %dma_wait3A_176 : memref<1x4x128xi32, #tpu.memory_space<hbm>> -> memref<4x128xi32, #tpu.memory_space<hbm>>
      %dma_wait3A_178 = arith.constant 0 : i32
      %dma_wait3A_179 = arith.constant 0 : i32
      %dma_wait3A_180 = tpu.memref_slice %arg5[%add3A, %dma_wait3A_178, %dma_wait3A_179] : memref<32x4x128xi32, #tpu.memory_space<hbm>> -> memref<1x4x128xi32, #tpu.memory_space<hbm>>
      %dma_wait3A_181 = tpu.memref_squeeze %dma_wait3A_180 : memref<1x4x128xi32, #tpu.memory_space<hbm>> -> memref<4x128xi32, #tpu.memory_space<hbm>>
      tpu.wait_dma2 semaphore(%run_scoped3A : memref<!tpu.dma_semaphore, #tpu.memory_space<semaphore_mem>>) src(%dma_wait3A_181 : memref<4x128xi32, #tpu.memory_space<hbm>>) dst(%arg8 : memref<4x128xi32, #tpu.memory_space<vmem>>)
      tpu.yield
    }) : () -> ()
    %dma_start3A = arith.constant 0 : i32
    %dma_start3A_3 = arith.constant 0 : i32
    %dma_start3A_4 = arith.constant 0 : i32
    %dma_start3A_5 = tpu.memref_slice %arg9[%dma_start3A_3, %dma_start3A_4] : memref<512x64xf32, #tpu.memory_space<vmem>> -> memref<128x64xf32, #tpu.memory_space<vmem>>
    %dma_start3A_6 = arith.constant 0 : i32
    %dma_start3A_7 = tpu.memref_slice %arg7[%dma_start3A, %dma_start3A_6] : memref<4x128xi32, #tpu.memory_space<vmem>> -> memref<1x128xi32, #tpu.memory_space<vmem>>
    %dma_start3A_8 = tpu.memref_squeeze %dma_start3A_7 : memref<1x128xi32, #tpu.memory_space<vmem>> -> memref<128xi32, #tpu.memory_space<vmem>>
    %dma_start3A_9 = arith.constant 0 : i32
    %dma_start3A_10 = arith.constant 0 : i32
    %dma_start3A_11 = tpu.memref_slice %arg2[%dma_start3A_9, %dma_start3A_10] : memref<1000000x64xf32, #tpu.memory_space<hbm>> -> memref<1000000x64xf32, #tpu.memory_space<hbm>>
    tpu.enqueue_indirect_dma source(%dma_start3A_11 : memref<1000000x64xf32, #tpu.memory_space<hbm>>) target(%dma_start3A_5 : memref<128x64xf32, #tpu.memory_space<vmem>>) offsets(%dma_start3A_8 : memref<128xi32, #tpu.memory_space<vmem>>) semaphore(%arg12 : memref<!tpu.dma_semaphore, #tpu.memory_space<semaphore_mem>>)
    %dma_start3A_12 = arith.constant 0 : i32
    %dma_start3A_13 = arith.constant 0 : i32
    %dma_start3A_14 = arith.constant 0 : i32
    %dma_start3A_15 = tpu.memref_slice %arg10[%dma_start3A_13, %dma_start3A_14] : memref<512x64xf32, #tpu.memory_space<vmem>> -> memref<128x64xf32, #tpu.memory_space<vmem>>
    %dma_start3A_16 = arith.constant 0 : i32
    %dma_start3A_17 = tpu.memref_slice %arg8[%dma_start3A_12, %dma_start3A_16] : memref<4x128xi32, #tpu.memory_space<vmem>> -> memref<1x128xi32, #tpu.memory_space<vmem>>
    %dma_start3A_18 = tpu.memref_squeeze %dma_start3A_17 : memref<1x128xi32, #tpu.memory_space<vmem>> -> memref<128xi32, #tpu.memory_space<vmem>>
    %dma_start3A_19 = arith.constant 0 : i32
    %dma_start3A_20 = arith.constant 0 : i32
    %dma_start3A_21 = tpu.memref_slice %arg3[%dma_start3A_19, %dma_start3A_20] : memref<1000000x64xf32, #tpu.memory_space<hbm>> -> memref<1000000x64xf32, #tpu.memory_space<hbm>>
    tpu.enqueue_indirect_dma source(%dma_start3A_21 : memref<1000000x64xf32, #tpu.memory_space<hbm>>) target(%dma_start3A_15 : memref<128x64xf32, #tpu.memory_space<vmem>>) offsets(%dma_start3A_18 : memref<128xi32, #tpu.memory_space<vmem>>) semaphore(%arg13 : memref<!tpu.dma_semaphore, #tpu.memory_space<semaphore_mem>>)
    %dma_start3A_22 = arith.constant 1 : i32
    %dma_start3A_23 = arith.constant 128 : i32
    %dma_start3A_24 = arith.constant 0 : i32
    %dma_start3A_25 = tpu.memref_slice %arg9[%dma_start3A_23, %dma_start3A_24] : memref<512x64xf32, #tpu.memory_space<vmem>> -> memref<128x64xf32, #tpu.memory_space<vmem>>
    %dma_start3A_26 = arith.constant 0 : i32
    %dma_start3A_27 = tpu.memref_slice %arg7[%dma_start3A_22, %dma_start3A_26] : memref<4x128xi32, #tpu.memory_space<vmem>> -> memref<1x128xi32, #tpu.memory_space<vmem>>
    %dma_start3A_28 = tpu.memref_squeeze %dma_start3A_27 : memref<1x128xi32, #tpu.memory_space<vmem>> -> memref<128xi32, #tpu.memory_space<vmem>>
    %dma_start3A_29 = arith.constant 0 : i32
    %dma_start3A_30 = arith.constant 0 : i32
    %dma_start3A_31 = tpu.memref_slice %arg2[%dma_start3A_29, %dma_start3A_30] : memref<1000000x64xf32, #tpu.memory_space<hbm>> -> memref<1000000x64xf32, #tpu.memory_space<hbm>>
    tpu.enqueue_indirect_dma source(%dma_start3A_31 : memref<1000000x64xf32, #tpu.memory_space<hbm>>) target(%dma_start3A_25 : memref<128x64xf32, #tpu.memory_space<vmem>>) offsets(%dma_start3A_28 : memref<128xi32, #tpu.memory_space<vmem>>) semaphore(%arg12 : memref<!tpu.dma_semaphore, #tpu.memory_space<semaphore_mem>>)
    %dma_start3A_32 = arith.constant 1 : i32
    %dma_start3A_33 = arith.constant 128 : i32
    %dma_start3A_34 = arith.constant 0 : i32
    %dma_start3A_35 = tpu.memref_slice %arg10[%dma_start3A_33, %dma_start3A_34] : memref<512x64xf32, #tpu.memory_space<vmem>> -> memref<128x64xf32, #tpu.memory_space<vmem>>
    %dma_start3A_36 = arith.constant 0 : i32
    %dma_start3A_37 = tpu.memref_slice %arg8[%dma_start3A_32, %dma_start3A_36] : memref<4x128xi32, #tpu.memory_space<vmem>> -> memref<1x128xi32, #tpu.memory_space<vmem>>
    %dma_start3A_38 = tpu.memref_squeeze %dma_start3A_37 : memref<1x128xi32, #tpu.memory_space<vmem>> -> memref<128xi32, #tpu.memory_space<vmem>>
    %dma_start3A_39 = arith.constant 0 : i32
    %dma_start3A_40 = arith.constant 0 : i32
    %dma_start3A_41 = tpu.memref_slice %arg3[%dma_start3A_39, %dma_start3A_40] : memref<1000000x64xf32, #tpu.memory_space<hbm>> -> memref<1000000x64xf32, #tpu.memory_space<hbm>>
    tpu.enqueue_indirect_dma source(%dma_start3A_41 : memref<1000000x64xf32, #tpu.memory_space<hbm>>) target(%dma_start3A_35 : memref<128x64xf32, #tpu.memory_space<vmem>>) offsets(%dma_start3A_38 : memref<128xi32, #tpu.memory_space<vmem>>) semaphore(%arg13 : memref<!tpu.dma_semaphore, #tpu.memory_space<semaphore_mem>>)
    %dma_start3A_42 = arith.constant 2 : i32
    %dma_start3A_43 = arith.constant 256 : i32
    %dma_start3A_44 = arith.constant 0 : i32
    %dma_start3A_45 = tpu.memref_slice %arg9[%dma_start3A_43, %dma_start3A_44] : memref<512x64xf32, #tpu.memory_space<vmem>> -> memref<128x64xf32, #tpu.memory_space<vmem>>
    %dma_start3A_46 = arith.constant 0 : i32
    %dma_start3A_47 = tpu.memref_slice %arg7[%dma_start3A_42, %dma_start3A_46] : memref<4x128xi32, #tpu.memory_space<vmem>> -> memref<1x128xi32, #tpu.memory_space<vmem>>
    %dma_start3A_48 = tpu.memref_squeeze %dma_start3A_47 : memref<1x128xi32, #tpu.memory_space<vmem>> -> memref<128xi32, #tpu.memory_space<vmem>>
    %dma_start3A_49 = arith.constant 0 : i32
    %dma_start3A_50 = arith.constant 0 : i32
    %dma_start3A_51 = tpu.memref_slice %arg2[%dma_start3A_49, %dma_start3A_50] : memref<1000000x64xf32, #tpu.memory_space<hbm>> -> memref<1000000x64xf32, #tpu.memory_space<hbm>>
    tpu.enqueue_indirect_dma source(%dma_start3A_51 : memref<1000000x64xf32, #tpu.memory_space<hbm>>) target(%dma_start3A_45 : memref<128x64xf32, #tpu.memory_space<vmem>>) offsets(%dma_start3A_48 : memref<128xi32, #tpu.memory_space<vmem>>) semaphore(%arg12 : memref<!tpu.dma_semaphore, #tpu.memory_space<semaphore_mem>>)
    %dma_start3A_52 = arith.constant 2 : i32
    %dma_start3A_53 = arith.constant 256 : i32
    %dma_start3A_54 = arith.constant 0 : i32
    %dma_start3A_55 = tpu.memref_slice %arg10[%dma_start3A_53, %dma_start3A_54] : memref<512x64xf32, #tpu.memory_space<vmem>> -> memref<128x64xf32, #tpu.memory_space<vmem>>
    %dma_start3A_56 = arith.constant 0 : i32
    %dma_start3A_57 = tpu.memref_slice %arg8[%dma_start3A_52, %dma_start3A_56] : memref<4x128xi32, #tpu.memory_space<vmem>> -> memref<1x128xi32, #tpu.memory_space<vmem>>
    %dma_start3A_58 = tpu.memref_squeeze %dma_start3A_57 : memref<1x128xi32, #tpu.memory_space<vmem>> -> memref<128xi32, #tpu.memory_space<vmem>>
    %dma_start3A_59 = arith.constant 0 : i32
    %dma_start3A_60 = arith.constant 0 : i32
    %dma_start3A_61 = tpu.memref_slice %arg3[%dma_start3A_59, %dma_start3A_60] : memref<1000000x64xf32, #tpu.memory_space<hbm>> -> memref<1000000x64xf32, #tpu.memory_space<hbm>>
    tpu.enqueue_indirect_dma source(%dma_start3A_61 : memref<1000000x64xf32, #tpu.memory_space<hbm>>) target(%dma_start3A_55 : memref<128x64xf32, #tpu.memory_space<vmem>>) offsets(%dma_start3A_58 : memref<128xi32, #tpu.memory_space<vmem>>) semaphore(%arg13 : memref<!tpu.dma_semaphore, #tpu.memory_space<semaphore_mem>>)
    %dma_start3A_62 = arith.constant 3 : i32
    %dma_start3A_63 = arith.constant 384 : i32
    %dma_start3A_64 = arith.constant 0 : i32
    %dma_start3A_65 = tpu.memref_slice %arg9[%dma_start3A_63, %dma_start3A_64] : memref<512x64xf32, #tpu.memory_space<vmem>> -> memref<128x64xf32, #tpu.memory_space<vmem>>
    %dma_start3A_66 = arith.constant 0 : i32
    %dma_start3A_67 = tpu.memref_slice %arg7[%dma_start3A_62, %dma_start3A_66] : memref<4x128xi32, #tpu.memory_space<vmem>> -> memref<1x128xi32, #tpu.memory_space<vmem>>
    %dma_start3A_68 = tpu.memref_squeeze %dma_start3A_67 : memref<1x128xi32, #tpu.memory_space<vmem>> -> memref<128xi32, #tpu.memory_space<vmem>>
    %dma_start3A_69 = arith.constant 0 : i32
    %dma_start3A_70 = arith.constant 0 : i32
    %dma_start3A_71 = tpu.memref_slice %arg2[%dma_start3A_69, %dma_start3A_70] : memref<1000000x64xf32, #tpu.memory_space<hbm>> -> memref<1000000x64xf32, #tpu.memory_space<hbm>>
    tpu.enqueue_indirect_dma source(%dma_start3A_71 : memref<1000000x64xf32, #tpu.memory_space<hbm>>) target(%dma_start3A_65 : memref<128x64xf32, #tpu.memory_space<vmem>>) offsets(%dma_start3A_68 : memref<128xi32, #tpu.memory_space<vmem>>) semaphore(%arg12 : memref<!tpu.dma_semaphore, #tpu.memory_space<semaphore_mem>>)
    %dma_start3A_72 = arith.constant 3 : i32
    %dma_start3A_73 = arith.constant 384 : i32
    %dma_start3A_74 = arith.constant 0 : i32
    %dma_start3A_75 = tpu.memref_slice %arg10[%dma_start3A_73, %dma_start3A_74] : memref<512x64xf32, #tpu.memory_space<vmem>> -> memref<128x64xf32, #tpu.memory_space<vmem>>
    %dma_start3A_76 = arith.constant 0 : i32
    %dma_start3A_77 = tpu.memref_slice %arg8[%dma_start3A_72, %dma_start3A_76] : memref<4x128xi32, #tpu.memory_space<vmem>> -> memref<1x128xi32, #tpu.memory_space<vmem>>
    %dma_start3A_78 = tpu.memref_squeeze %dma_start3A_77 : memref<1x128xi32, #tpu.memory_space<vmem>> -> memref<128xi32, #tpu.memory_space<vmem>>
    %dma_start3A_79 = arith.constant 0 : i32
    %dma_start3A_80 = arith.constant 0 : i32
    %dma_start3A_81 = tpu.memref_slice %arg3[%dma_start3A_79, %dma_start3A_80] : memref<1000000x64xf32, #tpu.memory_space<hbm>> -> memref<1000000x64xf32, #tpu.memory_space<hbm>>
    tpu.enqueue_indirect_dma source(%dma_start3A_81 : memref<1000000x64xf32, #tpu.memory_space<hbm>>) target(%dma_start3A_75 : memref<128x64xf32, #tpu.memory_space<vmem>>) offsets(%dma_start3A_78 : memref<128xi32, #tpu.memory_space<vmem>>) semaphore(%arg13 : memref<!tpu.dma_semaphore, #tpu.memory_space<semaphore_mem>>)
    %dma_wait3A = arith.constant 0 : i32
    %dma_wait3A_82 = arith.constant 0 : i32
    %dma_wait3A_83 = arith.constant 0 : i32
    %dma_wait3A_84 = tpu.memref_slice %arg9[%dma_wait3A_82, %dma_wait3A_83] : memref<512x64xf32, #tpu.memory_space<vmem>> -> memref<128x64xf32, #tpu.memory_space<vmem>>
    %dma_wait3A_85 = arith.constant 0 : i32
    %dma_wait3A_86 = tpu.memref_slice %arg7[%dma_wait3A, %dma_wait3A_85] : memref<4x128xi32, #tpu.memory_space<vmem>> -> memref<1x128xi32, #tpu.memory_space<vmem>>
    %dma_wait3A_87 = tpu.memref_squeeze %dma_wait3A_86 : memref<1x128xi32, #tpu.memory_space<vmem>> -> memref<128xi32, #tpu.memory_space<vmem>>
    %dma_wait3A_88 = arith.constant 0 : i32
    %dma_wait3A_89 = arith.constant 0 : i32
    %dma_wait3A_90 = tpu.memref_slice %arg2[%dma_wait3A_88, %dma_wait3A_89] : memref<1000000x64xf32, #tpu.memory_space<hbm>> -> memref<1000000x64xf32, #tpu.memory_space<hbm>>
    tpu.wait_indirect_dma semaphore(%arg12 : memref<!tpu.dma_semaphore, #tpu.memory_space<semaphore_mem>>) src(%dma_wait3A_90 : memref<1000000x64xf32, #tpu.memory_space<hbm>>) dst(%dma_wait3A_84 : memref<128x64xf32, #tpu.memory_space<vmem>>)
    %dma_wait3A_91 = arith.constant 0 : i32
    %dma_wait3A_92 = arith.constant 0 : i32
    %dma_wait3A_93 = arith.constant 0 : i32
    %dma_wait3A_94 = tpu.memref_slice %arg10[%dma_wait3A_92, %dma_wait3A_93] : memref<512x64xf32, #tpu.memory_space<vmem>> -> memref<128x64xf32, #tpu.memory_space<vmem>>
    %dma_wait3A_95 = arith.constant 0 : i32
    %dma_wait3A_96 = tpu.memref_slice %arg8[%dma_wait3A_91, %dma_wait3A_95] : memref<4x128xi32, #tpu.memory_space<vmem>> -> memref<1x128xi32, #tpu.memory_space<vmem>>
    %dma_wait3A_97 = tpu.memref_squeeze %dma_wait3A_96 : memref<1x128xi32, #tpu.memory_space<vmem>> -> memref<128xi32, #tpu.memory_space<vmem>>
    %dma_wait3A_98 = arith.constant 0 : i32
    %dma_wait3A_99 = arith.constant 0 : i32
    %dma_wait3A_100 = tpu.memref_slice %arg3[%dma_wait3A_98, %dma_wait3A_99] : memref<1000000x64xf32, #tpu.memory_space<hbm>> -> memref<1000000x64xf32, #tpu.memory_space<hbm>>
    tpu.wait_indirect_dma semaphore(%arg13 : memref<!tpu.dma_semaphore, #tpu.memory_space<semaphore_mem>>) src(%dma_wait3A_100 : memref<1000000x64xf32, #tpu.memory_space<hbm>>) dst(%dma_wait3A_94 : memref<128x64xf32, #tpu.memory_space<vmem>>)
    %dma_wait3A_101 = arith.constant 1 : i32
    %dma_wait3A_102 = arith.constant 128 : i32
    %dma_wait3A_103 = arith.constant 0 : i32
    %dma_wait3A_104 = tpu.memref_slice %arg9[%dma_wait3A_102, %dma_wait3A_103] : memref<512x64xf32, #tpu.memory_space<vmem>> -> memref<128x64xf32, #tpu.memory_space<vmem>>
    %dma_wait3A_105 = arith.constant 0 : i32
    %dma_wait3A_106 = tpu.memref_slice %arg7[%dma_wait3A_101, %dma_wait3A_105] : memref<4x128xi32, #tpu.memory_space<vmem>> -> memref<1x128xi32, #tpu.memory_space<vmem>>
    %dma_wait3A_107 = tpu.memref_squeeze %dma_wait3A_106 : memref<1x128xi32, #tpu.memory_space<vmem>> -> memref<128xi32, #tpu.memory_space<vmem>>
    %dma_wait3A_108 = arith.constant 0 : i32
    %dma_wait3A_109 = arith.constant 0 : i32
    %dma_wait3A_110 = tpu.memref_slice %arg2[%dma_wait3A_108, %dma_wait3A_109] : memref<1000000x64xf32, #tpu.memory_space<hbm>> -> memref<1000000x64xf32, #tpu.memory_space<hbm>>
    tpu.wait_indirect_dma semaphore(%arg12 : memref<!tpu.dma_semaphore, #tpu.memory_space<semaphore_mem>>) src(%dma_wait3A_110 : memref<1000000x64xf32, #tpu.memory_space<hbm>>) dst(%dma_wait3A_104 : memref<128x64xf32, #tpu.memory_space<vmem>>)
    %dma_wait3A_111 = arith.constant 1 : i32
    %dma_wait3A_112 = arith.constant 128 : i32
    %dma_wait3A_113 = arith.constant 0 : i32
    %dma_wait3A_114 = tpu.memref_slice %arg10[%dma_wait3A_112, %dma_wait3A_113] : memref<512x64xf32, #tpu.memory_space<vmem>> -> memref<128x64xf32, #tpu.memory_space<vmem>>
    %dma_wait3A_115 = arith.constant 0 : i32
    %dma_wait3A_116 = tpu.memref_slice %arg8[%dma_wait3A_111, %dma_wait3A_115] : memref<4x128xi32, #tpu.memory_space<vmem>> -> memref<1x128xi32, #tpu.memory_space<vmem>>
    %dma_wait3A_117 = tpu.memref_squeeze %dma_wait3A_116 : memref<1x128xi32, #tpu.memory_space<vmem>> -> memref<128xi32, #tpu.memory_space<vmem>>
    %dma_wait3A_118 = arith.constant 0 : i32
    %dma_wait3A_119 = arith.constant 0 : i32
    %dma_wait3A_120 = tpu.memref_slice %arg3[%dma_wait3A_118, %dma_wait3A_119] : memref<1000000x64xf32, #tpu.memory_space<hbm>> -> memref<1000000x64xf32, #tpu.memory_space<hbm>>
    tpu.wait_indirect_dma semaphore(%arg13 : memref<!tpu.dma_semaphore, #tpu.memory_space<semaphore_mem>>) src(%dma_wait3A_120 : memref<1000000x64xf32, #tpu.memory_space<hbm>>) dst(%dma_wait3A_114 : memref<128x64xf32, #tpu.memory_space<vmem>>)
    %dma_wait3A_121 = arith.constant 2 : i32
    %dma_wait3A_122 = arith.constant 256 : i32
    %dma_wait3A_123 = arith.constant 0 : i32
    %dma_wait3A_124 = tpu.memref_slice %arg9[%dma_wait3A_122, %dma_wait3A_123] : memref<512x64xf32, #tpu.memory_space<vmem>> -> memref<128x64xf32, #tpu.memory_space<vmem>>
    %dma_wait3A_125 = arith.constant 0 : i32
    %dma_wait3A_126 = tpu.memref_slice %arg7[%dma_wait3A_121, %dma_wait3A_125] : memref<4x128xi32, #tpu.memory_space<vmem>> -> memref<1x128xi32, #tpu.memory_space<vmem>>
    %dma_wait3A_127 = tpu.memref_squeeze %dma_wait3A_126 : memref<1x128xi32, #tpu.memory_space<vmem>> -> memref<128xi32, #tpu.memory_space<vmem>>
    %dma_wait3A_128 = arith.constant 0 : i32
    %dma_wait3A_129 = arith.constant 0 : i32
    %dma_wait3A_130 = tpu.memref_slice %arg2[%dma_wait3A_128, %dma_wait3A_129] : memref<1000000x64xf32, #tpu.memory_space<hbm>> -> memref<1000000x64xf32, #tpu.memory_space<hbm>>
    tpu.wait_indirect_dma semaphore(%arg12 : memref<!tpu.dma_semaphore, #tpu.memory_space<semaphore_mem>>) src(%dma_wait3A_130 : memref<1000000x64xf32, #tpu.memory_space<hbm>>) dst(%dma_wait3A_124 : memref<128x64xf32, #tpu.memory_space<vmem>>)
    %dma_wait3A_131 = arith.constant 2 : i32
    %dma_wait3A_132 = arith.constant 256 : i32
    %dma_wait3A_133 = arith.constant 0 : i32
    %dma_wait3A_134 = tpu.memref_slice %arg10[%dma_wait3A_132, %dma_wait3A_133] : memref<512x64xf32, #tpu.memory_space<vmem>> -> memref<128x64xf32, #tpu.memory_space<vmem>>
    %dma_wait3A_135 = arith.constant 0 : i32
    %dma_wait3A_136 = tpu.memref_slice %arg8[%dma_wait3A_131, %dma_wait3A_135] : memref<4x128xi32, #tpu.memory_space<vmem>> -> memref<1x128xi32, #tpu.memory_space<vmem>>
    %dma_wait3A_137 = tpu.memref_squeeze %dma_wait3A_136 : memref<1x128xi32, #tpu.memory_space<vmem>> -> memref<128xi32, #tpu.memory_space<vmem>>
    %dma_wait3A_138 = arith.constant 0 : i32
    %dma_wait3A_139 = arith.constant 0 : i32
    %dma_wait3A_140 = tpu.memref_slice %arg3[%dma_wait3A_138, %dma_wait3A_139] : memref<1000000x64xf32, #tpu.memory_space<hbm>> -> memref<1000000x64xf32, #tpu.memory_space<hbm>>
    tpu.wait_indirect_dma semaphore(%arg13 : memref<!tpu.dma_semaphore, #tpu.memory_space<semaphore_mem>>) src(%dma_wait3A_140 : memref<1000000x64xf32, #tpu.memory_space<hbm>>) dst(%dma_wait3A_134 : memref<128x64xf32, #tpu.memory_space<vmem>>)
    %dma_wait3A_141 = arith.constant 3 : i32
    %dma_wait3A_142 = arith.constant 384 : i32
    %dma_wait3A_143 = arith.constant 0 : i32
    %dma_wait3A_144 = tpu.memref_slice %arg9[%dma_wait3A_142, %dma_wait3A_143] : memref<512x64xf32, #tpu.memory_space<vmem>> -> memref<128x64xf32, #tpu.memory_space<vmem>>
    %dma_wait3A_145 = arith.constant 0 : i32
    %dma_wait3A_146 = tpu.memref_slice %arg7[%dma_wait3A_141, %dma_wait3A_145] : memref<4x128xi32, #tpu.memory_space<vmem>> -> memref<1x128xi32, #tpu.memory_space<vmem>>
    %dma_wait3A_147 = tpu.memref_squeeze %dma_wait3A_146 : memref<1x128xi32, #tpu.memory_space<vmem>> -> memref<128xi32, #tpu.memory_space<vmem>>
    %dma_wait3A_148 = arith.constant 0 : i32
    %dma_wait3A_149 = arith.constant 0 : i32
    %dma_wait3A_150 = tpu.memref_slice %arg2[%dma_wait3A_148, %dma_wait3A_149] : memref<1000000x64xf32, #tpu.memory_space<hbm>> -> memref<1000000x64xf32, #tpu.memory_space<hbm>>
    tpu.wait_indirect_dma semaphore(%arg12 : memref<!tpu.dma_semaphore, #tpu.memory_space<semaphore_mem>>) src(%dma_wait3A_150 : memref<1000000x64xf32, #tpu.memory_space<hbm>>) dst(%dma_wait3A_144 : memref<128x64xf32, #tpu.memory_space<vmem>>)
    %dma_wait3A_151 = arith.constant 3 : i32
    %dma_wait3A_152 = arith.constant 384 : i32
    %dma_wait3A_153 = arith.constant 0 : i32
    %dma_wait3A_154 = tpu.memref_slice %arg10[%dma_wait3A_152, %dma_wait3A_153] : memref<512x64xf32, #tpu.memory_space<vmem>> -> memref<128x64xf32, #tpu.memory_space<vmem>>
    %dma_wait3A_155 = arith.constant 0 : i32
    %dma_wait3A_156 = tpu.memref_slice %arg8[%dma_wait3A_151, %dma_wait3A_155] : memref<4x128xi32, #tpu.memory_space<vmem>> -> memref<1x128xi32, #tpu.memory_space<vmem>>
    %dma_wait3A_157 = tpu.memref_squeeze %dma_wait3A_156 : memref<1x128xi32, #tpu.memory_space<vmem>> -> memref<128xi32, #tpu.memory_space<vmem>>
    %dma_wait3A_158 = arith.constant 0 : i32
    %dma_wait3A_159 = arith.constant 0 : i32
    %dma_wait3A_160 = tpu.memref_slice %arg3[%dma_wait3A_158, %dma_wait3A_159] : memref<1000000x64xf32, #tpu.memory_space<hbm>> -> memref<1000000x64xf32, #tpu.memory_space<hbm>>
    tpu.wait_indirect_dma semaphore(%arg13 : memref<!tpu.dma_semaphore, #tpu.memory_space<semaphore_mem>>) src(%dma_wait3A_160 : memref<1000000x64xf32, #tpu.memory_space<hbm>>) dst(%dma_wait3A_154 : memref<128x64xf32, #tpu.memory_space<vmem>>)
    %scan3A = arith.constant 0 : i32
    %scan3A_161 = arith.constant 0 : i32
    %scan3A_162 = arith.constant 32 : i32
    %scan3A_163 = arith.addi %scan3A_161, %scan3A_162 : i32
    %scan3A_164 = arith.constant 1 : i32
    scf.for %scan3A_166 = %scan3A_161 to %scan3A_163 step %scan3A_164  : i32 {
      %mul3A_167 = arith.constant 16 : i32
      %mul3A_168 = arith.muli %scan3A_166, %mul3A_167 : i32
      %iota3A = tpu.iota {dimensions = array<i32: 0>} : vector<16xi32>
      %add3A_169 = vector.broadcast %mul3A_168 : i32 to vector<16xi32>
      %add3A_170 = arith.addi %add3A_169, %iota3A : vector<16xi32>
      %broadcast_in_dim3A = arith.constant 0.000000e+00 : f32
      %broadcast_in_dim3A_171 = vector.broadcast %broadcast_in_dim3A : f32 to vector<16xf32>
      %scan3A_172 = arith.constant 0 : i32
      %scan3A_173 = arith.constant 64 : i32
      %scan3A_174 = arith.addi %scan3A_172, %scan3A_173 : i32
      %scan3A_175 = arith.constant 1 : i32
      %scan3A_176 = scf.for %scan3A_181 = %scan3A_172 to %scan3A_174 step %scan3A_175 iter_args(%scan3A_182 = %broadcast_in_dim3A_171) -> (vector<16xf32>)  : i32 {
        %broadcast_in_dim3A_183 = vector.broadcast %scan3A_181 : i32 to vector<16xi32>
        %gather3A = tpu.vector_load_idx %arg9[%add3A_170, %broadcast_in_dim3A_183] : memref<512x64xf32, #tpu.memory_space<vmem>>[vector<16xi32>, vector<16xi32>], vector<16xf32>,
        %gather3A_184 = tpu.vector_load_idx %arg10[%add3A_170, %broadcast_in_dim3A_183] : memref<512x64xf32, #tpu.memory_space<vmem>>[vector<16xi32>, vector<16xi32>], vector<16xf32>,
        %mul3A_185 = arith.mulf %gather3A, %gather3A_184 : vector<16xf32>
        %add3A_186 = arith.addf %scan3A_182, %mul3A_185 : vector<16xf32>
        scf.yield %add3A_186 : vector<16xf32>
      }
      %scan3A_177 = arith.constant 64 : i32
      %mul3A_178 = arith.constant 16 : i32
      %mul3A_179 = arith.muli %scan3A_166, %mul3A_178 : i32
      %swap3A = arith.index_cast %mul3A_179 : i32 to index
      %swap3A_180 = tpu.vector_load %arg11[%swap3A] {strides = array<i32>} : memref<512xf32, #tpu.memory_space<vmem>>, vector<16xf32>,
      tpu.vector_store %arg11[%swap3A], %scan3A_176 {strides = array<i32>} : memref<512xf32, #tpu.memory_space<vmem>>, vector<16xf32>,
    }
    %scan3A_165 = arith.constant 32 : i32
    "tpu.region"() ({
      %run_scoped3A = tpu.sem_alloc : memref<!tpu.dma_semaphore, #tpu.memory_space<semaphore_mem>>
      %dma_start3A_166 = tpu.memref_slice %arg6[%mul3A_2] : memref<16384xf32, #tpu.memory_space<hbm>> -> memref<512xf32, #tpu.memory_space<hbm>>
      %dma_start3A_167 = tpu.memref_slice %arg6[%mul3A_2] : memref<16384xf32, #tpu.memory_space<hbm>> -> memref<512xf32, #tpu.memory_space<hbm>>
      tpu.enqueue_dma source(%arg11 : memref<512xf32, #tpu.memory_space<vmem>>) target(%dma_start3A_167 : memref<512xf32, #tpu.memory_space<hbm>>) target_semaphore(%run_scoped3A : memref<!tpu.dma_semaphore, #tpu.memory_space<semaphore_mem>>)
      %dma_wait3A_168 = tpu.memref_slice %arg6[%mul3A_2] : memref<16384xf32, #tpu.memory_space<hbm>> -> memref<512xf32, #tpu.memory_space<hbm>>
      %dma_wait3A_169 = tpu.memref_slice %arg6[%mul3A_2] : memref<16384xf32, #tpu.memory_space<hbm>> -> memref<512xf32, #tpu.memory_space<hbm>>
      tpu.wait_dma2 semaphore(%run_scoped3A : memref<!tpu.dma_semaphore, #tpu.memory_space<semaphore_mem>>) src(%arg11 : memref<512xf32, #tpu.memory_space<vmem>>) dst(%dma_wait3A_169 : memref<512xf32, #tpu.memory_space<hbm>>)
      tpu.yield
    }) : () -> ()
    return
  }
}

</mosaic_0001>

<sc_bundles>
// kernel: _run.3.cloned.1.call-start
scs
__scs_entry_jumppad:
0x0: {  	(pc) =	sbr.rel $0x88, $3  }
0x1: {  	(tag) =	ssettag $0x0;
	lr =	simm.s32 $0x1  }
0x2: {  	[smem:$0x3F9D] =	sst lr;
	_ =	strace $0xD0000000  }
0x3: {  	_ = 	snop  }
0x4: {  	_ = 	snop  }
0x5: {  	_ = 	snop  }
0x6: {  	_ = 	snop  }
0x7: {  	_ = 	snop  }
__scs_overlays_trampoline_lowered:
0x8: {  	[smem:$0x3FAC] =	sst s0  }
0x9: {  	[smem:$0x3FAD] =	sst s1  }
0xa: {  	[smem:$0x3FAE] =	sst s2  }
0xb: {  	[smem:$0x3FAF] =	sst s3  }
0xc: {  	[smem:$0x3FB0] =	sst s4  }
0xd: {  	[smem:$0x3FB1] =	sst s5  }
0xe: {  	[smem:$0x3FB2] =	sst s6  }
0xf: {  	[smem:$0x3FB3] =	sst s7  }
0x10: {  	[smem:$0x3FB4] =	sst s8  }
0x11: {  	[smem:$0x3FB5] =	sst s9;
	s0 =	simm.s32 @!p0 $0x0  }
0x12: {  	s1 =	sld [smem:$0x3F9B];
	s0 =	simm.s32 @p0 $0x1  }
0x13: {  	[smem:$0x3FB6] =	sst s0;
	s0 =	simm.s32 @!p1 $0x0  }
0x14: {  	s2 =	sld [smem:$0x3F9A];
	s0 =	simm.s32 @p1 $0x1  }
0x15: {  	[smem:$0x3FB7] =	sst s0;
	s0 =	simm.s32 @!p2 $0x0  }
0x16: {  	s3 =	sld [smem:$0x3FDB];
	s0 =	simm.s32 @p2 $0x1  }
0x17: {  	s4 =	simm.s32 $0x1BF5;
	[smem:$0x3FB9] =	sst s0  }
0x18: {  	s0 =	sld [smem:$0x3F9C];
	_ =	swait.ge [sflag:s4], $0x0  }
0x19: {  	s7 =	sld [smem:$0x3F9D]  }
0x1a: {  	s8 =	sadd.s32 $0xFFFFE003, lr  }
0x1b: {  	s9 =	sadd.s32 $0xFFFFFEF7, lr;
	s5 =	simm.s32 $0xFFFFFFFF;
	p2 =	slt.u32 s8, $0xFFFFF086  }
0x1c: {  	p1 =	slt.u32 s9, $0xF7A;
	s5 =	simm.s32 @!p2 $0x0  }
0x1d: {  	s5 =	simm.s32 @p1 $0x1;
	p0 =	seq.s32 s7, s2  }
0x1e: {  	s7 =	smul.u32 @!p0 $0xF7A, s2;
	p2 =	seq.s32 @!p0 s5, $0x0  }
0x1f: {  	s9 =	smul.u32 $0xF7A, s1;
	s8 =	simm.s32 @!p0 $0x1BF5;
	p2 =	por !p2, p0  }
0x20: {  	[sflag:s8] =	ssyncset.s32 @!p0 $0xFFFFF086;
	s6 =	sadd.s32 @!p0 s3, s7;
	s7 =	simm.s32 @!p0 $0x108  }
0x21: {  	s3 =	sadd.s32 s3, s9;
	s6 =	sadd.s32 @!p0 $0x88, s6;
	s7 =	simm.s32 @p2 $0x1082  }
0x22: {  	[simem:s7], [sflag:s8] =	dma.local @!p0 [hbm:s6], $0xF7A  }
0x23: {  	s9 =	sor.u32 $0xD0000000, s2;
	s6 =	simm.s32 $0x108;
	_ =	swait.ge @!p0 [sflag:s8], $0x0  }
0x24: {  	s3 =	sadd.s32 $0x88, s3;
	s6 =	simm.s32 @!p1 $0x1082;
	[sflag:s4] =	ssyncset.s32 $0xFFFFF086  }
0x25: {  	[simem:s6], [sflag:s4] =	dma.local [hbm:s3], $0xF7A  }
0x26: {  	[smem:$0x3F9D] =	sst s1;
	(tag) =	ssettag s2;
	_ =	strace s9  }
0x27: {  	s1 =	sld [smem:$0x3FAD]  }
0x28: {  	s2 =	sld [smem:$0x3FAE]  }
0x29: {  	s4 =	sld [smem:$0x3FB0]  }
0x2a: {  	p0 =	seq.s32 s5, $0x0;
	s5 =	sld [smem:$0x3FB1]  }
0x2b: {  	s6 =	sld [smem:$0x3FB2]  }
0x2c: {  	s7 =	sld [smem:$0x3FB3]  }
0x2d: {  	s3 =	simm.s32 $0x108;
	s8 =	sld [smem:$0x3FB4]  }
0x2e: {  	s3 =	simm.s32 @!p0 $0x1082;
	s9 =	sld [smem:$0x3FB5]  }
0x2f: {  	lr =	sadd.s32 s0, s3;
	s0 =	sld [smem:$0x3FAC]  }
0x30: {  	s3 =	sld [smem:$0x3FAF]  }
0x31: {  	[smem:$0x3FB8] =	sst s10  }
0x32: {  	s10 =	sld [smem:$0x3FB6];
	_ =	sdelay $0x3  }
0x33: {  	p0 =	seq.s32 s10, $0x1;
	s10 =	sld [smem:$0x3FB8];
	_ =	sdelay $0x3  }
0x34: {  	[smem:$0x3FB8] =	sst s10  }
0x35: {  	s10 =	sld [smem:$0x3FB7];
	_ =	sdelay $0x3  }
0x36: {  	p1 =	seq.s32 s10, $0x1;
	s10 =	sld [smem:$0x3FB8];
	_ =	sdelay $0x3  }
0x37: {  	[smem:$0x3FB8] =	sst s10  }
0x38: {  	s10 =	sld [smem:$0x3FB9]  }
0x39: {  	_ = 	snop;
	(pc) =	sbr.ind lr, $3  }
0x3a: {  	_ = 	snop  }
0x3b: {  	_ = 	snop  }
0x3c: {  	p2 =	seq.s32 s10, $0x1;
	s10 =	sld [smem:$0x3FB8]  }
0x3d: {  	_ =	shalt  }
0x3e: {  	_ =	shalt  }
0x3f: {  	_ =	shalt  }
0x40: {  	_ =	shalt  }
0x41: {  	_ =	shalt  }
0x42: {  	_ =	shalt  }
0x43: {  	_ =	shalt  }
0x44: {  	_ =	shalt  }
0x45: {  	_ =	shalt  }
0x46: {  	_ =	shalt  }
0x47: {  	_ =	shalt  }
0x48: {  	_ =	shalt  }
0x49: {  	_ =	shalt  }
0x4a: {  	_ =	shalt  }
0x4b: {  	_ =	shalt  }
0x4c: {  	_ =	shalt  }
0x4d: {  	_ =	shalt  }
0x4e: {  	_ =	shalt  }
0x4f: {  	_ =	shalt  }
0x50: {  	_ =	shalt  }
0x51: {  	_ =	shalt  }
0x52: {  	_ =	shalt  }
0x53: {  	_ =	shalt  }
0x54: {  	_ =	shalt  }
0x55: {  	_ =	shalt  }
0x56: {  	_ =	shalt  }
0x57: {  	_ =	shalt  }
0x58: {  	_ =	shalt  }
0x59: {  	_ =	shalt  }
0x5a: {  	_ =	shalt  }
0x5b: {  	_ =	shalt  }
0x5c: {  	_ =	shalt  }
0x5d: {  	_ =	shalt  }
0x5e: {  	_ =	shalt  }
0x5f: {  	_ =	shalt  }
0x60: {  	_ =	shalt  }
0x61: {  	_ =	shalt  }
0x62: {  	_ =	shalt  }
0x63: {  	_ =	shalt  }
0x64: {  	_ =	shalt  }
0x65: {  	_ =	shalt  }
0x66: {  	_ =	shalt  }
0x67: {  	_ =	shalt  }
0x68: {  	_ =	shalt  }
0x69: {  	_ =	shalt  }
0x6a: {  	_ =	shalt  }
0x6b: {  	_ =	shalt  }
0x6c: {  	_ =	shalt  }
0x6d: {  	_ =	shalt  }
0x6e: {  	_ =	shalt  }
0x6f: {  	_ =	shalt  }
0x70: {  	_ =	shalt  }
0x71: {  	_ =	shalt  }
0x72: {  	_ =	shalt  }
0x73: {  	_ =	shalt  }
0x74: {  	_ =	shalt  }
0x75: {  	_ =	shalt  }
0x76: {  	_ =	shalt  }
0x77: {  	_ =	shalt  }
0x78: {  	_ =	shalt  }
0x79: {  	_ =	shalt  }
0x7a: {  	_ =	shalt  }
0x7b: {  	_ =	shalt  }
0x7c: {  	_ =	shalt  }
0x7d: {  	_ =	shalt  }
0x7e: {  	_ =	shalt  }
0x7f: {  	_ =	shalt  }
0x80: {  	_ =	shalt  }
0x81: {  	_ =	shalt  }
0x82: {  	_ =	shalt  }
0x83: {  	_ =	shalt  }
0x84: {  	_ =	shalt  }
0x85: {  	_ =	shalt  }
0x86: {  	_ =	shalt  }
0x87: {  	_ =	shalt  }
.Lfunc_end0:
.L_simem_size_0:
called_computation_lowered:
.L_overlay_start_0:
0x88: {  	s2 =	sld [smem:$0x3FD9]  }
0x89: {  	s3 =	sld [smem:$0x3FFE];
	_ =	sdelay $0x1  }
0x8a: {  	s1 =	srdreg.scid  }
0x8b: {  	s0 =	sand.u32 $0x1, s1  }
0x8c: {  	s17 =	sshll.u32 s0, $0xA;
	s2 =	sadd.s32 s3, s2  }
0x8d: {  	s2 =	sadd.s32 s2, s17  }
0x8e: {  	[smem:$0x3FC4] =	sst s2  }
0x8f: {  	_ = 	snop  }
0x90: {  	s2 =	sld [smem:$0x3FC7]  }
0x91: {  	s18 =	sld [smem:$0x3FC6]  }
0x92: {  	s4 =	sld [smem:$0x3FD0];
	(tm) =	ssettm $0x1  }
0x93: {  	s5 =	sld [smem:$0x3FFB];
	_ =	sdelay $0x3  }
0x94: {  	_ =	strace s5  }
0x95: {  	s5 =	sld [smem:$0x3FFC];
	_ =	sdelay $0x3  }
0x96: {  	_ =	strace s5  }
0x97: {  	s5 =	sld [smem:$0x3FFD];
	_ =	sdelay $0x3  }
0x98: {  	_ =	strace s5  }
0x99: {  	_ =	strace $0x8FFFFFFF  }
0x9a: {  	s19 =	sld [smem:$0x3FDB];
	_ =	sdelay $0x1  }
0x9b: {  	s6 =	simm.s32 $_scs_section_size  }
0x9c: {  	s7 =	simm.s32 $_size__tile_overlayer_lowered;
	s8 =	simm.s32 $_tile_overlayer_lowered  }
0x9d: {  	s22 =	simm.s32 $0x1BFF;
	s21 =	sshll.u32 s8, $0x1;
	s5 =	sadd.s32 s6, s19  }
0x9e: {  	s9 =	simm.s32 $0x0;
	s20 =	sshll.u32 s7, $0x1;
	s7 =	sadd.s32 s21, s5  }
0x9f: {  	[timem:s9], [sflag:s22] =	dma.local [hbm:s7], s20  }
0xa0: {  	_ =	swait.ge [sflag:s22], s20  }
0xa1: {  	s6 =	ssub.s32 $0x0, s20;
	[sflag:s22] =	ssyncset.done $0x0  }
0xa2: {  	[sflag:s22] =	ssyncadd.s32 s6;
	_ =	sdelay $0x1  }
0xa3: {  	s23 =	simm.s32 $0x1B8B  }
0xa4: {  	_ =	swait.ge [sflag:s23], $0x1  }
0xa5: {  	[sflag:s23] =	ssyncset.done $0x0  }
0xa6: {  	s25 =	simm.s32 $0x1B8E;
	s24 =	sld [smem:$0x3FFE];
	[sflag:s23] =	ssyncadd.s32 $0xFFFFFFFF  }
0xa7: {  	s26 =	simm.s32 $execute0_lowered;
	[smem:$0x3FD2] =	sst s25  }
0xa8: {  	s7 =	sshll.u32 s26, $0x1;
	_ =	strace $0x80000046;
	[dreg:$0x1] =	wrdreg $0xFFFFFFFF  }
0xa9: {  	s28 =	simm.s32 $_size_execute0_lowered;
	s5 =	sadd.s32 s5, s7;
	[dreg:$0x0] =	wrdreg $0x0  }
0xaa: {  	s7 =	sshll.u32 s28, $0x1;
	[dreg:$0x2] =	wrdreg s5  }
0xab: {  	[dreg:$0x3] =	wrdreg s7  }
0xac: {  	[dreg:$0x4] =	wrdreg $0xC0  }
0xad: {  	_ =	task [dreg:s9], $0x5FFFF  }
0xae: {  	[dreg:$0x1] =	wrdreg $0xFFFFFFFF  }
0xaf: {  	[dreg:$0x0] =	wrdreg $0x60  }
0xb0: {  	[dreg:$0x2] =	wrdreg s24  }
0xb1: {  	[dreg:$0x3] =	wrdreg s2  }
0xb2: {  	[dreg:$0x4] =	wrdreg s18  }
0xb3: {  	[dreg:$0x5] =	wrdreg s4  }
0xb4: {  	[dreg:$0x6] =	wrdreg $0x9  }
0xb5: {  	_ =	task.clear_ibuf [dreg:s9], $0x7FFFF;
	_ =	strace $0x90000046  }
0xb6: {  	s29 =	simm.s32 $0x9;
	_ =	strace $0x80000048  }
0xb7: {  	_ =	swait.ge [sflag:s29], $0x1  }
0xb8: {  	[sflag:s29] =	ssyncadd.s32 $0xFFFFFFFF  }
0xb9: {  	_ =	strace $0x90000048  }
0xba: {  	_ =	sfence  }
0xbb: {  	s30 =	sld [smem:$0x0];
	_ =	sdelay $0x2  }
0xbc: {  	s31 =	sshll.u32 s1, $0xD;
	s1 =	sshrl.u32 s1, $0x2  }
0xbd: {  	s3 =	sand.u32 $0x4000, s31;
	s1 =	sadd.s32 s1, s30  }
0xbe: {  	s0 =	sor.u32 s3, s0;
	s1 =	sshll.u32 s1, $0x11  }
0xbf: {  	s0 =	sor.u32 s1, s0  }
0xc0: {  	s0 =	sadd.s32 $0x8F2B, s0  }
0xc1: {  	[sflag:s0] =	ssyncadd.remote.s32 $0x1  }
0xc2: {  	_ =	sfence.sel $0xFFFF  }
0xc3: {  	[dreg:$0x0] =	wrdreg $0xFFFFFFFF;
	(pc) =	sbr.abs _section_cstart, $3  }
0xc4: {  	[dreg:$0x1] =	wrdreg $0xFFFFFFFF  }
0xc5: {  	_ =	task.clear_ibuf [dreg:s9], $0x2FFFF;
	_ =	strace $0x9FFFFFFF  }
0xc6: {  	(tm) =	ssettm $0x7FFFFFFF  }
0xc7: {  	_ =	shalt  }
tec
execute0_lowered:
.L_overlay_start_1:
0x0: {  	(tag) =	ssettag $0x1  }
0x1: {  	s0 =	rddreg [dreg:$0x0]  }
0x2: {  	s5 =	rddreg [dreg:$0x1]  }
0x3: {  	s6 =	rddreg [dreg:$0x2]  }
0x4: {  	s7 =	rddreg [dreg:$0x3];
	s1 =	simm.s32 $0x0;
	s2 =	srdreg.scid  }
0x5: {  	s12 =	simm.s32 $0x400;
	s13 =	simm.s32 $0x8400;
	s14 =	simm.s32 $0x2400  }
0x6: {  	s15 =	simm.s32 $0x280;
	s16 =	simm.s32 $0xA400;
	s17 =	simm.s32 $0x100  }
0x7: {  	s18 =	simm.s32 $0x4400;
	s19 =	simm.s32 $0x300;
	s20 =	simm.s32 $0xC400  }
0x8: {  	s21 =	simm.s32 $0x180;
	s22 =	simm.s32 $0x6400;
	s23 =	simm.s32 $0x380  }
0x9: {  	s24 =	simm.s32 $0xE400;
	s25 =	simm.s32 $0x1;
	s26 =	simm.s32 $0x2  }
0xa: {  	s28 =	simm.s32 $0x10400;
	s29 =	simm.s32 $0x0;
	[smem:$0x7FF] =	sst s1  }
0xb: {  	s4 =	sand.u32 $0x1, s2;
	s3 =	sadd.s32 $0xF42800, s0;
	s2 =	stileid.u32  }
0xc: {  	_ =	strace $0x80000047;
	s8 =	ssub.s32 $0x2, s4;
	s10 =	sshll.u32 s2, $0x7  }
0xd: {  	s11 =	sshll.u32 s4, $0x6;
	s4 =	sadd.s32 $0x16E3A00, s0;
	s9 =	sshrl.u32 s8, $0x1  }
0xe: {  	s31 =	sor.u32 s11, s10;
	s10 =	simm.s32 $0x200;
	s11 =	simm.s32 $0x80  }
0xf: {  	v0 =	vlaneseq.u32;
	s30 =	ssub.s32 s8, s9;
	s5 =	sadd.s32 s5, s31;
	s6 =	sadd.s32 s6, s31  }
0x10: {  	v0 =	vmul.u32 $0x40, v0;
	s7 =	sadd.s32 s7, s31;
	s9 =	simm.s32 $0x3;
	s8 =	smax.u32 s30, $0x1  }
.LBB2_1:
0x11: {  	[tilespmem:s1], [sflag:$0x3] =	stream.linear.gather [hbm4b:s5+s1], $0x200, $0x38;
	[tilespmem:$0x10600] =	vst v63  }
0x12: {  	_ =	swait.ge [sflag:s9], $0x200  }
0x13: {  	[sflag:s9] =	ssyncset.done $0x0  }
0x14: {  	[sflag:s9] =	ssyncadd.s32 $0xFFFFFE00  }
0x15: {  	[tilespmem:s10], [sflag:$0x3] =	stream.linear.gather [hbm4b:s6+s1], $0x200, $0x38;
	[tilespmem:$0x10600] =	vst v63  }
0x16: {  	_ =	swait.ge [sflag:s9], $0x200  }
0x17: {  	[sflag:s9] =	ssyncset.done $0x0  }
0x18: {  	[sflag:s9] =	ssyncadd.s32 $0xFFFFFE00  }
0x19: {  	[tilespmem:s12], [sflag:$0x1] =	stream.indirect.gather [hbm4b:s3+s11], $0x40, s1, s11, $0xb8;
	[tilespmem:$0x10600] =	vst v63  }
0x1a: {  	_ = 	snop  }
0x1b: {  	[tilespmem:s13], [sflag:$0x2] =	stream.indirect.gather [hbm4b:s4+s11], $0x40, s10, s11, $0xb8;
	[tilespmem:$0x10600] =	vst v63  }
0x1c: {  	_ = 	snop  }
0x1d: {  	[tilespmem:s14], [sflag:$0x1] =	stream.indirect.gather [hbm4b:s3+s11], $0x40, s11, s11, $0xb8;
	[tilespmem:$0x10600] =	vst v63  }
0x1e: {  	_ = 	snop  }
0x1f: {  	[tilespmem:s16], [sflag:$0x2] =	stream.indirect.gather [hbm4b:s4+s11], $0x40, s15, s11, $0xb8;
	[tilespmem:$0x10600] =	vst v63  }
0x20: {  	_ = 	snop  }
0x21: {  	[tilespmem:s18], [sflag:$0x1] =	stream.indirect.gather [hbm4b:s3+s11], $0x40, s17, s11, $0xb8;
	[tilespmem:$0x10600] =	vst v63  }
0x22: {  	_ = 	snop  }
0x23: {  	[tilespmem:s20], [sflag:$0x2] =	stream.indirect.gather [hbm4b:s4+s11], $0x40, s19, s11, $0xb8;
	[tilespmem:$0x10600] =	vst v63  }
0x24: {  	_ = 	snop  }
0x25: {  	[tilespmem:s22], [sflag:$0x1] =	stream.indirect.gather [hbm4b:s3+s11], $0x40, s21, s11, $0xb8;
	[tilespmem:$0x10600] =	vst v63  }
0x26: {  	_ = 	snop  }
0x27: {  	[tilespmem:s24], [sflag:$0x2] =	stream.indirect.gather [hbm4b:s4+s11], $0x40, s23, s11, $0xb8;
	[tilespmem:$0x10600] =	vst v63  }
0x28: {  	_ =	swait.ge [sflag:s25], $0x2000  }
0x29: {  	[sflag:s25] =	ssyncset.done $0x0  }
0x2a: {  	[sflag:s25] =	ssyncadd.s32 $0xFFFFE000  }
0x2b: {  	_ =	swait.ge [sflag:s26], $0x2000  }
0x2c: {  	[sflag:s26] =	ssyncset.done $0x0  }
0x2d: {  	[sflag:s26] =	ssyncadd.s32 $0xFFFFE000  }
0x2e: {  	_ =	swait.ge [sflag:s25], $0x2000  }
0x2f: {  	[sflag:s25] =	ssyncset.done $0x0  }
0x30: {  	[sflag:s25] =	ssyncadd.s32 $0xFFFFE000  }
0x31: {  	_ =	swait.ge [sflag:s26], $0x2000  }
0x32: {  	[sflag:s26] =	ssyncset.done $0x0  }
0x33: {  	[sflag:s26] =	ssyncadd.s32 $0xFFFFE000  }
0x34: {  	_ =	swait.ge [sflag:s25], $0x2000  }
0x35: {  	[sflag:s25] =	ssyncset.done $0x0  }
0x36: {  	[sflag:s25] =	ssyncadd.s32 $0xFFFFE000  }
0x37: {  	_ =	swait.ge [sflag:s26], $0x2000  }
0x38: {  	[sflag:s26] =	ssyncset.done $0x0  }
0x39: {  	[sflag:s26] =	ssyncadd.s32 $0xFFFFE000  }
0x3a: {  	_ =	swait.ge [sflag:s25], $0x2000  }
0x3b: {  	[sflag:s25] =	ssyncset.done $0x0  }
0x3c: {  	[sflag:s25] =	ssyncadd.s32 $0xFFFFE000  }
0x3d: {  	_ =	swait.ge [sflag:s26], $0x2000  }
0x3e: {  	[sflag:s26] =	ssyncset.done $0x0  }
0x3f: {  	s30 =	simm.s32 $0x0;
	[sflag:s26] =	ssyncadd.s32 $0xFFFFE000  }
.LBB2_2:
0x40: {  	s0 =	simm.s32 $0x0  }
0x41: {  	s31 =	sshll.u32 s30, $0x4;
	v1 =	vmov s0  }
0x42: {  	v2 =	vmov s31;
	v1 =	vand.u32 $0x3F, v1  }
0x43: {  	v2 =	vshll.u32 v2, $0x6;
	v3 =	vbroadcast v1, $0x0  }
0x44: {  	v1 =	vor.u32 v0, v2  }
0x45: {  	s0 =	simm.s32 $0x1;
	v2 =	vor.u32 v1, v3  }
0x46: {  	v3 =	vmov s0  }
0x47: {  	v3 =	vand.u32 $0x3F, v3  }
0x48: {  	v3 =	vbroadcast v3, $0x0;
	_ =	sdelay $0x1  }
0x49: {  	v4 =	vor.u32 v1, v3;
	v6 =	vld.idx.msk [tilespmem:v2+s12+$0x0], $0xffff  }
0x4a: {  	s0 =	simm.s32 $0x2;
	v7 =	vld.idx.msk [tilespmem:v2+s13+$0x0], $0xffff  }
0x4b: {  	v2 =	vmov s0  }
0x4c: {  	v2 =	vand.u32 $0x3F, v2  }
0x4d: {  	v5 =	vbroadcast v2, $0x0  }
0x4e: {  	v2 =	vld.idx.msk [tilespmem:v4+s12+$0x0], $0xffff  }
0x4f: {  	v3 =	vimm.f32 $0.0e+00;
	s0 =	simm.s32 $0x3;
	v5 =	vor.u32 v1, v5;
	v4 =	vld.idx.msk [tilespmem:v4+s13+$0x0], $0xffff;
	v6 =	vmul.f32 v7, v6  }
.LBB2_3:
0x50: {  	p0 =	sne.s32 s0, $0x3F  }
.Ltmp0:
0x51: {  	v7 =	vmov s0;
	v3 =	vadd.f32 v6, v3;
	(pc) =	sbr.rel @p0 .LBB2_3-.Ltmp0, $4  }
0x52: {  	s0 =	sadd.s32 $0x1, s0;
	v8 =	vand.u32 $0x3F, v7  }
0x53: {  	v7 =	vbroadcast v8, $0x0  }
0x54: {  	v6 =	vmov v2;
	v2 =	vld.idx.msk [tilespmem:v5+s12+$0x0], $0xffff  }
0x55: {  	v6 =	vmul.f32 v4, v6;
	v4 =	vld.idx.msk [tilespmem:v5+s13+$0x0], $0xffff;
	v5 =	vor.u32 v1, v7  }
0x56: {  	_ =	sdelay $0x3  }
0x57: {  	v1 =	vld.idx.msk [tilespmem:v5+s12+$0x0], $0xffff  }
0x58: {  	v63 =	vld.idx.msk [tilespmem:v5+s13+$0x0], $0xffff;
	_ =	sdelay $0x2  }
0x59: {  	s30 =	sadd.s32 $0x1, s30;
	v3 =	vadd.f32 v6, v3;
	v2 =	vmul.f32 v4, v2  }
0x5a: {  	p0 =	sne.s32 s30, $0x20  }
.Ltmp1:
0x5b: {  	v1 =	vmul.f32 v63, v1;
	v2 =	vadd.f32 v2, v3;
	(pc) =	sbr.rel @p0 .LBB2_2-.Ltmp1, $3  }
0x5c: {  	_ = 	snop  }
0x5d: {  	v1 =	vadd.f32 v1, v2;
	_ =	sdelay $0x1  }
0x5e: {  	[tilespmem:s31+$0x10400] =	vst v1  }
0x5f: {  	s29 =	sadd.s32 $0x1, s29  }
0x60: {  	p0 =	sne.s32 s29, s8  }
.Ltmp2:
0x61: {  	_ = 	snop;
	(pc) =	sbr.rel @p0 .LBB2_1-.Ltmp2, $4  }
0x62: {  	[hbm4b:s7+s1] =	stream.linear.scatter [tilespmem:s28], [sflag:$0x3], $0x200, $0x38;
	[tilespmem:$0x10600] =	vst v63  }
0x63: {  	_ =	swait.ge [sflag:s9], $0x200  }
0x64: {  	[sflag:s9] =	ssyncset.done $0x0  }
0x65: {  	[sflag:s9] =	ssyncadd.s32 $0xFFFFFE00  }
0x66: {  	_ =	sfence.sel $0x180000  }
0x67: {  	[bflag:$0x0] =	sbarrier.arrive $0xFFFF  }
0x68: {  	_ =	strace $0x90000047  }
0x69: {  	[bflag:$0x2] =	sbarrier.arrive $0xFFFF  }
0x6a: {  	p0 =	sne.s32 s2, $0x0;
	s0 =	rddreg [dreg:$0x4]  }
0x6b: {  	s0 =	sadd.s32 @!p0 $0x100000, s0  }
0x6c: {  	[sflag:s0] =	ssyncadd.tile.s32 @!p0 $0x1;
	_ =	shalt  }
.Lfunc_end2:
_tile_overlayer_lowered:
.L_overlay_start_2:
0x6d: {  	(tag) =	ssettag $0x2  }
0x6e: {  	s0 =	rddreg [dreg:$0x0];
	s2 =	stileid.u32  }
0x6f: {  	s1 =	rddreg [dreg:$0x1];
	p0 =	sne.s32 s2, $0x0  }
0x70: {  	s3 =	rddreg [dreg:$0x2];
	[bflag:$0x3] =	sbarrier.arrive $0xFFFF;
	s2 =	simm.s32 @!p0 $0x1C03  }
0x71: {  	[timem:s3], [sflag:s2] =	dma.local @!p0 [hbm:s0], s1  }
0x72: {  	s0 =	simm.s32 @!p0 $0x3  }
0x73: {  	_ =	swait.ge @!p0 [sflag:s0], s1  }
0x74: {  	s1 =	ssub.s32 @!p0 $0x0, s1;
	[sflag:s0] =	ssyncset.done @!p0 $0x0  }
0x75: {  	[sflag:s0] =	ssyncadd.s32 @!p0 s1  }
0x76: {  	[bflag:$0x3] =	sbarrier.arrive $0xFFFF  }
0x77: {  	_ =	shalt  }

</sc_bundles>
